<compile_context>
chip_gen: v7x
topology: tpu7x:2x2x1
jax: 0.10.2.dev20260603
libtpu: 0.0.44.dev20260713+nightly
codegen_flags: <defaults>
</compile_context>

<pallas_src>
import functools

import jax
import jax.numpy as jnp
from jax import lax
from jax.experimental import pallas as pl
from jax.experimental.pallas import tpu as pltpu
from jax.experimental.pallas import tpu_sc as plsc

EMB_DIM = 64
N_NEGS = 16384
NUM_CORES = 2
NUM_SUBCORES = 16
NUM_WORKERS = NUM_CORES * NUM_SUBCORES
B_PER_W = N_NEGS // NUM_WORKERS
CHUNK = 128
N_CHUNKS = B_PER_W // CHUNK


def _gather_body(emb_hbm, negix_hbm, uvix_hbm, negs_out, uv_out,
                 idx_v, rows_v, uvidx_v, uvrows_v, sem):
    c = lax.axis_index("c")
    s = lax.axis_index("s")
    wid = s * NUM_CORES + c
    base = wid * B_PER_W
    pltpu.sync_copy(negix_hbm.at[pl.ds(base, B_PER_W)], idx_v)
    copies = [
        pltpu.async_copy(
            emb_hbm.at[idx_v.at[pl.ds(j * CHUNK, CHUNK)]],
            rows_v.at[pl.ds(j * CHUNK, CHUNK)],
            sem,
        )
        for j in range(N_CHUNKS)
    ]
    for cp in copies:
        cp.wait()
    pltpu.sync_copy(rows_v, negs_out.at[pl.ds(base, B_PER_W)])

    @pl.when(wid == 0)
    def _():
        pltpu.sync_copy(uvix_hbm, uvidx_v)
        pltpu.async_copy(emb_hbm.at[uvidx_v], uvrows_v, sem).wait()
        pltpu.sync_copy(uvrows_v, uv_out)


_gather = functools.partial(
    pl.kernel,
    out_type=(
        jax.ShapeDtypeStruct((N_NEGS, EMB_DIM), jnp.float32),
        jax.ShapeDtypeStruct((8, EMB_DIM), jnp.float32),
    ),
    mesh=plsc.VectorSubcoreMesh(core_axis_name="c", subcore_axis_name="s"),
    scratch_types=(
        pltpu.VMEM((B_PER_W,), jnp.int32),
        pltpu.VMEM((B_PER_W, EMB_DIM), jnp.float32),
        pltpu.VMEM((8,), jnp.int32),
        pltpu.VMEM((8, EMB_DIM), jnp.float32),
        pltpu.SemaphoreType.DMA,
    ),
    compiler_params=pltpu.CompilerParams(use_tc_tiling_on_sc=False),
)(_gather_body)


def _loss_body(negs_ref, uv_ref, out_ref):
    u = uv_ref[0:1, :]
    v = uv_ref[1:2, :]
    eps = 1e-5
    uu = jnp.sum(u * u)
    vv = jnp.sum(v * v)
    alpha = jnp.clip(1.0 - uu, eps, 1.0)
    beta_v = jnp.clip(1.0 - vv, eps, 1.0)
    sq_uv = jnp.sum((u - v) ** 2)
    gamma_uv = jnp.clip(1.0 + 2.0 * sq_uv / (alpha * beta_v), 1.0 + 1e-7, None)
    d_uv = jnp.log(gamma_uv + jnp.sqrt(gamma_uv * gamma_uv - 1.0))

    negs = negs_ref[...]
    nn = jnp.sum(negs * negs, axis=1, keepdims=True)
    beta_n = jnp.clip(1.0 - nn, eps, 1.0)
    sq_n = jnp.sum((negs - u) ** 2, axis=1, keepdims=True)
    gamma_n = jnp.clip(1.0 + 2.0 * sq_n / (alpha * beta_n), 1.0 + 1e-7, None)
    e_n = gamma_n - jnp.sqrt(gamma_n * gamma_n - 1.0)
    s_sum = jnp.sum(e_n)
    out_ref[...] = jnp.broadcast_to(d_uv + jnp.log(s_sum), (1, 1))


_loss = pl.pallas_call(
    _loss_body,
    out_shape=jax.ShapeDtypeStruct((1, 1), jnp.float32),
)


def kernel(embeddings, u_ix, v_ix, neg_ixs):
    neg_ixs = neg_ixs.astype(jnp.int32)
    u_ix = jnp.asarray(u_ix, jnp.int32)
    v_ix = jnp.asarray(v_ix, jnp.int32)
    uvix = jnp.stack([u_ix, v_ix, u_ix, u_ix, u_ix, u_ix, u_ix, u_ix])
    negs, uv = _gather(embeddings, neg_ixs, uvix)
    loss = _loss(negs, uv)
    u = uv[0:1, :]
    v = uv[1:2, :]
    return (loss, u, v, negs)

# --- scband reference (transcript-rebuilt; emitter-appended) ---
"""Pipeline reference for scband-text-model-6511170420876 (READ-ONLY COPY).

The authoritative reference and input builder live on the scoring server;
editing this copy changes nothing except your own understanding.
"""

import jax, jax.numpy as jnp
import numpy as np

VOCAB_SIZE = 1000000
EMB_DIM = 64
N_NEGS = 16384


def poincare_distance(u, v):
    """Poincare distance a la Nickel & Kiela.

    d(u, v) = arcosh(1 + 2*||u-v||^2 / ((1-||u||^2)(1-||v||^2)))
    Broadcasts u [1, d] against v [N, d].
    """
    eps = 1e-5
    uu = jnp.sum(u * u, axis=-1)
    vv = jnp.sum(v * v, axis=-1)
    sq_dist = jnp.sum((u - v) ** 2, axis=-1)
    alpha = jnp.clip(1.0 - uu, eps, 1.0)
    beta = jnp.clip(1.0 - vv, eps, 1.0)
    gamma = 1.0 + 2.0 * sq_dist / (alpha * beta)
    gamma = jnp.clip(gamma, 1.0 + 1e-7, None)
    return jnp.arccosh(gamma)


def setup_inputs(seed: int = 0) -> dict:
    key = jax.random.key(seed)
    k_emb, k_neg = jax.random.split(key)
    # TextModel.__init__: torch.nn.init.uniform(embeddings, a=-0.001, b=0.001)
    embeddings = jax.random.uniform(
        k_emb, (VOCAB_SIZE, EMB_DIM), dtype=jnp.float32,
        minval=-0.001, maxval=0.001)
    u_ix = 12345
    v_ix = 678901
    neg_ixs = jax.random.randint(k_neg, (N_NEGS,), 0, VOCAB_SIZE, dtype=jnp.int64 if jax.config.jax_enable_x64 else jnp.int32)
    return {"embeddings": embeddings, "u_ix": u_ix, "v_ix": v_ix, "neg_ixs": neg_ixs}


def reference(embeddings, u_ix, v_ix, neg_ixs):
    # lookup([u_ix]) -> [1, d]
    u = jnp.take(embeddings, jnp.asarray([u_ix]), axis=0)
    v = jnp.take(embeddings, jnp.asarray([v_ix]), axis=0)
    negs = jnp.take(embeddings, neg_ixs, axis=0)  # [N_NEGS, d]
    d_uv = poincare_distance(u, v)       # [1]
    d_un = poincare_distance(u, negs)    # [N_NEGS]
    # loss = -log( exp(-d(u,v)) / sum(exp(-d(u,negs))) )
    loss = -jnp.log(jnp.exp(-d_uv) / jnp.sum(jnp.exp(-d_un)))
    loss = loss.reshape(1, 1)  # original code indexes loss.data[0][0]
    return (loss, u, v, negs)

if __name__ == "__main__":
    import jax
    _d = setup_inputs()
    print(jax.jit(kernel)(*tuple(_d.values())))

</pallas_src>

<mosaic_0001>
#map = affine_map<(d0, d1) -> (0, 0)>
#map1 = affine_map<(d0, d1) -> (0)>
module attributes {stable_mosaic.version = 14 : i64} {
  func.func @_gather_body(%arg0: i32, %arg1: i32, %arg2: memref<1000000x64xf32, #tpu.memory_space<hbm>>, %arg3: memref<16384xi32, #tpu.memory_space<hbm>>, %arg4: memref<8xi32, #tpu.memory_space<hbm>>, %arg5: memref<16384x64xf32, #tpu.memory_space<hbm>>, %arg6: memref<8x64xf32, #tpu.memory_space<hbm>>, %arg7: memref<512xi32, #tpu.memory_space<vmem>>, %arg8: memref<512x64xf32, #tpu.memory_space<vmem>>, %arg9: memref<8xi32, #tpu.memory_space<vmem>>, %arg10: memref<8x64xf32, #tpu.memory_space<vmem>>, %arg11: memref<!tpu.dma_semaphore, #tpu.memory_space<semaphore_mem>>) attributes {dimension_semantics = [#tpu.dimension_semantics<core_parallel>, #tpu.dimension_semantics<subcore_parallel>], iteration_bounds = array<i64: 2, 16>, scalar_prefetch = 0 : i64, scratch_operands = 5 : i64, tpu.core_type = #tpu.core_type<sc_vector_subcore>, window_params = [{transform_indices = #map}, {transform_indices = #map1}, {transform_indices = #map1}, {transform_indices = #map}, {transform_indices = #map}]} {
    %mul3A = arith.constant 2 : i32
    %mul3A_0 = arith.muli %arg1, %mul3A : i32
    %add3A = arith.addi %mul3A_0, %arg0 : i32
    %mul3A_1 = arith.constant 512 : i32
    %mul3A_2 = arith.muli %add3A, %mul3A_1 : i32
    "tpu.region"() ({
      %run_scoped3A = tpu.sem_alloc : memref<!tpu.dma_semaphore, #tpu.memory_space<semaphore_mem>>
      %dma_start3A_67 = tpu.memref_slice %arg3[%mul3A_2] : memref<16384xi32, #tpu.memory_space<hbm>> -> memref<512xi32, #tpu.memory_space<hbm>>
      %dma_start3A_68 = tpu.memref_slice %arg3[%mul3A_2] : memref<16384xi32, #tpu.memory_space<hbm>> -> memref<512xi32, #tpu.memory_space<hbm>>
      tpu.enqueue_dma source(%dma_start3A_68 : memref<512xi32, #tpu.memory_space<hbm>>) target(%arg7 : memref<512xi32, #tpu.memory_space<vmem>>) target_semaphore(%run_scoped3A : memref<!tpu.dma_semaphore, #tpu.memory_space<semaphore_mem>>)
      %dma_wait3A_69 = tpu.memref_slice %arg3[%mul3A_2] : memref<16384xi32, #tpu.memory_space<hbm>> -> memref<512xi32, #tpu.memory_space<hbm>>
      %dma_wait3A_70 = tpu.memref_slice %arg3[%mul3A_2] : memref<16384xi32, #tpu.memory_space<hbm>> -> memref<512xi32, #tpu.memory_space<hbm>>
      tpu.wait_dma2 semaphore(%run_scoped3A : memref<!tpu.dma_semaphore, #tpu.memory_space<semaphore_mem>>) src(%dma_wait3A_70 : memref<512xi32, #tpu.memory_space<hbm>>) dst(%arg7 : memref<512xi32, #tpu.memory_space<vmem>>)
      tpu.yield
    }) : () -> ()
    %dma_start3A = arith.constant 0 : i32
    %dma_start3A_3 = arith.constant 0 : i32
    %dma_start3A_4 = tpu.memref_slice %arg8[%dma_start3A, %dma_start3A_3] : memref<512x64xf32, #tpu.memory_space<vmem>> -> memref<128x64xf32, #tpu.memory_space<vmem>>
    %dma_start3A_5 = arith.constant 0 : i32
    %dma_start3A_6 = tpu.memref_slice %arg7[%dma_start3A_5] : memref<512xi32, #tpu.memory_space<vmem>> -> memref<128xi32, #tpu.memory_space<vmem>>
    %dma_start3A_7 = arith.constant 0 : i32
    %dma_start3A_8 = arith.constant 0 : i32
    %dma_start3A_9 = tpu.memref_slice %arg2[%dma_start3A_7, %dma_start3A_8] : memref<1000000x64xf32, #tpu.memory_space<hbm>> -> memref<1000000x64xf32, #tpu.memory_space<hbm>>
    tpu.enqueue_indirect_dma source(%dma_start3A_9 : memref<1000000x64xf32, #tpu.memory_space<hbm>>) target(%dma_start3A_4 : memref<128x64xf32, #tpu.memory_space<vmem>>) offsets(%dma_start3A_6 : memref<128xi32, #tpu.memory_space<vmem>>) semaphore(%arg11 : memref<!tpu.dma_semaphore, #tpu.memory_space<semaphore_mem>>)
    %dma_start3A_10 = arith.constant 128 : i32
    %dma_start3A_11 = arith.constant 0 : i32
    %dma_start3A_12 = tpu.memref_slice %arg8[%dma_start3A_10, %dma_start3A_11] : memref<512x64xf32, #tpu.memory_space<vmem>> -> memref<128x64xf32, #tpu.memory_space<vmem>>
    %dma_start3A_13 = arith.constant 128 : i32
    %dma_start3A_14 = tpu.memref_slice %arg7[%dma_start3A_13] : memref<512xi32, #tpu.memory_space<vmem>> -> memref<128xi32, #tpu.memory_space<vmem>>
    %dma_start3A_15 = arith.constant 0 : i32
    %dma_start3A_16 = arith.constant 0 : i32
    %dma_start3A_17 = tpu.memref_slice %arg2[%dma_start3A_15, %dma_start3A_16] : memref<1000000x64xf32, #tpu.memory_space<hbm>> -> memref<1000000x64xf32, #tpu.memory_space<hbm>>
    tpu.enqueue_indirect_dma source(%dma_start3A_17 : memref<1000000x64xf32, #tpu.memory_space<hbm>>) target(%dma_start3A_12 : memref<128x64xf32, #tpu.memory_space<vmem>>) offsets(%dma_start3A_14 : memref<128xi32, #tpu.memory_space<vmem>>) semaphore(%arg11 : memref<!tpu.dma_semaphore, #tpu.memory_space<semaphore_mem>>)
    %dma_start3A_18 = arith.constant 256 : i32
    %dma_start3A_19 = arith.constant 0 : i32
    %dma_start3A_20 = tpu.memref_slice %arg8[%dma_start3A_18, %dma_start3A_19] : memref<512x64xf32, #tpu.memory_space<vmem>> -> memref<128x64xf32, #tpu.memory_space<vmem>>
    %dma_start3A_21 = arith.constant 256 : i32
    %dma_start3A_22 = tpu.memref_slice %arg7[%dma_start3A_21] : memref<512xi32, #tpu.memory_space<vmem>> -> memref<128xi32, #tpu.memory_space<vmem>>
    %dma_start3A_23 = arith.constant 0 : i32
    %dma_start3A_24 = arith.constant 0 : i32
    %dma_start3A_25 = tpu.memref_slice %arg2[%dma_start3A_23, %dma_start3A_24] : memref<1000000x64xf32, #tpu.memory_space<hbm>> -> memref<1000000x64xf32, #tpu.memory_space<hbm>>
    tpu.enqueue_indirect_dma source(%dma_start3A_25 : memref<1000000x64xf32, #tpu.memory_space<hbm>>) target(%dma_start3A_20 : memref<128x64xf32, #tpu.memory_space<vmem>>) offsets(%dma_start3A_22 : memref<128xi32, #tpu.memory_space<vmem>>) semaphore(%arg11 : memref<!tpu.dma_semaphore, #tpu.memory_space<semaphore_mem>>)
    %dma_start3A_26 = arith.constant 384 : i32
    %dma_start3A_27 = arith.constant 0 : i32
    %dma_start3A_28 = tpu.memref_slice %arg8[%dma_start3A_26, %dma_start3A_27] : memref<512x64xf32, #tpu.memory_space<vmem>> -> memref<128x64xf32, #tpu.memory_space<vmem>>
    %dma_start3A_29 = arith.constant 384 : i32
    %dma_start3A_30 = tpu.memref_slice %arg7[%dma_start3A_29] : memref<512xi32, #tpu.memory_space<vmem>> -> memref<128xi32, #tpu.memory_space<vmem>>
    %dma_start3A_31 = arith.constant 0 : i32
    %dma_start3A_32 = arith.constant 0 : i32
    %dma_start3A_33 = tpu.memref_slice %arg2[%dma_start3A_31, %dma_start3A_32] : memref<1000000x64xf32, #tpu.memory_space<hbm>> -> memref<1000000x64xf32, #tpu.memory_space<hbm>>
    tpu.enqueue_indirect_dma source(%dma_start3A_33 : memref<1000000x64xf32, #tpu.memory_space<hbm>>) target(%dma_start3A_28 : memref<128x64xf32, #tpu.memory_space<vmem>>) offsets(%dma_start3A_30 : memref<128xi32, #tpu.memory_space<vmem>>) semaphore(%arg11 : memref<!tpu.dma_semaphore, #tpu.memory_space<semaphore_mem>>)
    %dma_wait3A = arith.constant 0 : i32
    %dma_wait3A_34 = arith.constant 0 : i32
    %dma_wait3A_35 = tpu.memref_slice %arg8[%dma_wait3A, %dma_wait3A_34] : memref<512x64xf32, #tpu.memory_space<vmem>> -> memref<128x64xf32, #tpu.memory_space<vmem>>
    %dma_wait3A_36 = arith.constant 0 : i32
    %dma_wait3A_37 = tpu.memref_slice %arg7[%dma_wait3A_36] : memref<512xi32, #tpu.memory_space<vmem>> -> memref<128xi32, #tpu.memory_space<vmem>>
    %dma_wait3A_38 = arith.constant 0 : i32
    %dma_wait3A_39 = arith.constant 0 : i32
    %dma_wait3A_40 = tpu.memref_slice %arg2[%dma_wait3A_38, %dma_wait3A_39] : memref<1000000x64xf32, #tpu.memory_space<hbm>> -> memref<1000000x64xf32, #tpu.memory_space<hbm>>
    tpu.wait_indirect_dma semaphore(%arg11 : memref<!tpu.dma_semaphore, #tpu.memory_space<semaphore_mem>>) src(%dma_wait3A_40 : memref<1000000x64xf32, #tpu.memory_space<hbm>>) dst(%dma_wait3A_35 : memref<128x64xf32, #tpu.memory_space<vmem>>)
    %dma_wait3A_41 = arith.constant 128 : i32
    %dma_wait3A_42 = arith.constant 0 : i32
    %dma_wait3A_43 = tpu.memref_slice %arg8[%dma_wait3A_41, %dma_wait3A_42] : memref<512x64xf32, #tpu.memory_space<vmem>> -> memref<128x64xf32, #tpu.memory_space<vmem>>
    %dma_wait3A_44 = arith.constant 128 : i32
    %dma_wait3A_45 = tpu.memref_slice %arg7[%dma_wait3A_44] : memref<512xi32, #tpu.memory_space<vmem>> -> memref<128xi32, #tpu.memory_space<vmem>>
    %dma_wait3A_46 = arith.constant 0 : i32
    %dma_wait3A_47 = arith.constant 0 : i32
    %dma_wait3A_48 = tpu.memref_slice %arg2[%dma_wait3A_46, %dma_wait3A_47] : memref<1000000x64xf32, #tpu.memory_space<hbm>> -> memref<1000000x64xf32, #tpu.memory_space<hbm>>
    tpu.wait_indirect_dma semaphore(%arg11 : memref<!tpu.dma_semaphore, #tpu.memory_space<semaphore_mem>>) src(%dma_wait3A_48 : memref<1000000x64xf32, #tpu.memory_space<hbm>>) dst(%dma_wait3A_43 : memref<128x64xf32, #tpu.memory_space<vmem>>)
    %dma_wait3A_49 = arith.constant 256 : i32
    %dma_wait3A_50 = arith.constant 0 : i32
    %dma_wait3A_51 = tpu.memref_slice %arg8[%dma_wait3A_49, %dma_wait3A_50] : memref<512x64xf32, #tpu.memory_space<vmem>> -> memref<128x64xf32, #tpu.memory_space<vmem>>
    %dma_wait3A_52 = arith.constant 256 : i32
    %dma_wait3A_53 = tpu.memref_slice %arg7[%dma_wait3A_52] : memref<512xi32, #tpu.memory_space<vmem>> -> memref<128xi32, #tpu.memory_space<vmem>>
    %dma_wait3A_54 = arith.constant 0 : i32
    %dma_wait3A_55 = arith.constant 0 : i32
    %dma_wait3A_56 = tpu.memref_slice %arg2[%dma_wait3A_54, %dma_wait3A_55] : memref<1000000x64xf32, #tpu.memory_space<hbm>> -> memref<1000000x64xf32, #tpu.memory_space<hbm>>
    tpu.wait_indirect_dma semaphore(%arg11 : memref<!tpu.dma_semaphore, #tpu.memory_space<semaphore_mem>>) src(%dma_wait3A_56 : memref<1000000x64xf32, #tpu.memory_space<hbm>>) dst(%dma_wait3A_51 : memref<128x64xf32, #tpu.memory_space<vmem>>)
    %dma_wait3A_57 = arith.constant 384 : i32
    %dma_wait3A_58 = arith.constant 0 : i32
    %dma_wait3A_59 = tpu.memref_slice %arg8[%dma_wait3A_57, %dma_wait3A_58] : memref<512x64xf32, #tpu.memory_space<vmem>> -> memref<128x64xf32, #tpu.memory_space<vmem>>
    %dma_wait3A_60 = arith.constant 384 : i32
    %dma_wait3A_61 = tpu.memref_slice %arg7[%dma_wait3A_60] : memref<512xi32, #tpu.memory_space<vmem>> -> memref<128xi32, #tpu.memory_space<vmem>>
    %dma_wait3A_62 = arith.constant 0 : i32
    %dma_wait3A_63 = arith.constant 0 : i32
    %dma_wait3A_64 = tpu.memref_slice %arg2[%dma_wait3A_62, %dma_wait3A_63] : memref<1000000x64xf32, #tpu.memory_space<hbm>> -> memref<1000000x64xf32, #tpu.memory_space<hbm>>
    tpu.wait_indirect_dma semaphore(%arg11 : memref<!tpu.dma_semaphore, #tpu.memory_space<semaphore_mem>>) src(%dma_wait3A_64 : memref<1000000x64xf32, #tpu.memory_space<hbm>>) dst(%dma_wait3A_59 : memref<128x64xf32, #tpu.memory_space<vmem>>)
    "tpu.region"() ({
      %run_scoped3A = tpu.sem_alloc : memref<!tpu.dma_semaphore, #tpu.memory_space<semaphore_mem>>
      %dma_start3A_67 = arith.constant 0 : i32
      %dma_start3A_68 = tpu.memref_slice %arg5[%mul3A_2, %dma_start3A_67] : memref<16384x64xf32, #tpu.memory_space<hbm>> -> memref<512x64xf32, #tpu.memory_space<hbm>>
      %dma_start3A_69 = arith.constant 0 : i32
      %dma_start3A_70 = tpu.memref_slice %arg5[%mul3A_2, %dma_start3A_69] : memref<16384x64xf32, #tpu.memory_space<hbm>> -> memref<512x64xf32, #tpu.memory_space<hbm>>
      tpu.enqueue_dma source(%arg8 : memref<512x64xf32, #tpu.memory_space<vmem>>) target(%dma_start3A_70 : memref<512x64xf32, #tpu.memory_space<hbm>>) target_semaphore(%run_scoped3A : memref<!tpu.dma_semaphore, #tpu.memory_space<semaphore_mem>>)
      %dma_wait3A_71 = arith.constant 0 : i32
      %dma_wait3A_72 = tpu.memref_slice %arg5[%mul3A_2, %dma_wait3A_71] : memref<16384x64xf32, #tpu.memory_space<hbm>> -> memref<512x64xf32, #tpu.memory_space<hbm>>
      %dma_wait3A_73 = arith.constant 0 : i32
      %dma_wait3A_74 = tpu.memref_slice %arg5[%mul3A_2, %dma_wait3A_73] : memref<16384x64xf32, #tpu.memory_space<hbm>> -> memref<512x64xf32, #tpu.memory_space<hbm>>
      tpu.wait_dma2 semaphore(%run_scoped3A : memref<!tpu.dma_semaphore, #tpu.memory_space<semaphore_mem>>) src(%arg8 : memref<512x64xf32, #tpu.memory_space<vmem>>) dst(%dma_wait3A_74 : memref<512x64xf32, #tpu.memory_space<hbm>>)
      tpu.yield
    }) : () -> ()
    %eq3A = arith.constant 0 : i32
    %eq3A_65 = arith.cmpi eq, %add3A, %eq3A : i32
    %convert_element_type3A = arith.extui %eq3A_65 : i1 to i32
    %cond3A = arith.constant 0 : i32
    %cond3A_66 = arith.cmpi ne, %convert_element_type3A, %cond3A : i32
    scf.if %cond3A_66 {
      "tpu.region"() ({
        %run_scoped3A = tpu.sem_alloc : memref<!tpu.dma_semaphore, #tpu.memory_space<semaphore_mem>>
        tpu.enqueue_dma source(%arg4 : memref<8xi32, #tpu.memory_space<hbm>>) target(%arg9 : memref<8xi32, #tpu.memory_space<vmem>>) target_semaphore(%run_scoped3A : memref<!tpu.dma_semaphore, #tpu.memory_space<semaphore_mem>>)
        tpu.wait_dma2 semaphore(%run_scoped3A : memref<!tpu.dma_semaphore, #tpu.memory_space<semaphore_mem>>) src(%arg4 : memref<8xi32, #tpu.memory_space<hbm>>) dst(%arg9 : memref<8xi32, #tpu.memory_space<vmem>>)
        tpu.yield
      }) : () -> ()
      %dma_start3A_67 = arith.constant 0 : i32
      %dma_start3A_68 = arith.constant 0 : i32
      %dma_start3A_69 = tpu.memref_slice %arg2[%dma_start3A_67, %dma_start3A_68] : memref<1000000x64xf32, #tpu.memory_space<hbm>> -> memref<1000000x64xf32, #tpu.memory_space<hbm>>
      tpu.enqueue_indirect_dma source(%dma_start3A_69 : memref<1000000x64xf32, #tpu.memory_space<hbm>>) target(%arg10 : memref<8x64xf32, #tpu.memory_space<vmem>>) offsets(%arg9 : memref<8xi32, #tpu.memory_space<vmem>>) semaphore(%arg11 : memref<!tpu.dma_semaphore, #tpu.memory_space<semaphore_mem>>)
      %dma_wait3A_70 = arith.constant 0 : i32
      %dma_wait3A_71 = arith.constant 0 : i32
      %dma_wait3A_72 = tpu.memref_slice %arg2[%dma_wait3A_70, %dma_wait3A_71] : memref<1000000x64xf32, #tpu.memory_space<hbm>> -> memref<1000000x64xf32, #tpu.memory_space<hbm>>
      tpu.wait_indirect_dma semaphore(%arg11 : memref<!tpu.dma_semaphore, #tpu.memory_space<semaphore_mem>>) src(%dma_wait3A_72 : memref<1000000x64xf32, #tpu.memory_space<hbm>>) dst(%arg10 : memref<8x64xf32, #tpu.memory_space<vmem>>)
      "tpu.region"() ({
        %run_scoped3A = tpu.sem_alloc : memref<!tpu.dma_semaphore, #tpu.memory_space<semaphore_mem>>
        tpu.enqueue_dma source(%arg10 : memref<8x64xf32, #tpu.memory_space<vmem>>) target(%arg6 : memref<8x64xf32, #tpu.memory_space<hbm>>) target_semaphore(%run_scoped3A : memref<!tpu.dma_semaphore, #tpu.memory_space<semaphore_mem>>)
        tpu.wait_dma2 semaphore(%run_scoped3A : memref<!tpu.dma_semaphore, #tpu.memory_space<semaphore_mem>>) src(%arg10 : memref<8x64xf32, #tpu.memory_space<vmem>>) dst(%arg6 : memref<8x64xf32, #tpu.memory_space<hbm>>)
        tpu.yield
      }) : () -> ()
    } else {
    }
    return
  }
}

module attributes {stable_mosaic.version = 14 : i64} {
  func.func @_loss_body(%arg0: memref<16384x64xf32, #tpu.memory_space<vmem>>, %arg1: memref<8x64xf32, #tpu.memory_space<vmem>>, %arg2: memref<1x1xf32, #tpu.memory_space<vmem>>) attributes {dimension_semantics = [], scalar_prefetch = 0 : i64, scratch_operands = 0 : i64, tpu.core_type = #tpu.core_type<tc>} {
    %get3A = arith.constant 0 : index
    %get3A_0 = arith.constant 0 : index
    %get3A_1 = vector.load %arg1[%get3A, %get3A_0] : memref<8x64xf32, #tpu.memory_space<vmem>>, vector<1x64xf32>
    %get3A_2 = arith.constant 1 : index
    %get3A_3 = arith.constant 0 : index
    %get3A_4 = vector.load %arg1[%get3A_2, %get3A_3] : memref<8x64xf32, #tpu.memory_space<vmem>>, vector<1x64xf32>
    %mul3A = arith.mulf %get3A_1, %get3A_1 : vector<1x64xf32>
    %reduce_sum3A = vector.shape_cast %mul3A : vector<1x64xf32> to vector<1x1x64xf32>
    %reduce_sum3A_5 = arith.constant dense<0.000000e+00> : vector<1xf32>
    %reduce_sum3A_6 = vector.multi_reduction <add>, %reduce_sum3A, %reduce_sum3A_5 [1, 2] : vector<1x1x64xf32> to vector<1xf32>
    %reduce_sum3A_7 = vector.shape_cast %reduce_sum3A_6 : vector<1xf32> to vector<1x1x1xf32>
    %reduce_sum3A_8 = vector.extract %reduce_sum3A_7[0, 0, 0] : f32 from vector<1x1x1xf32>
    %mul3A_9 = arith.mulf %get3A_4, %get3A_4 : vector<1x64xf32>
    %reduce_sum3A_10 = vector.shape_cast %mul3A_9 : vector<1x64xf32> to vector<1x1x64xf32>
    %reduce_sum3A_11 = arith.constant dense<0.000000e+00> : vector<1xf32>
    %reduce_sum3A_12 = vector.multi_reduction <add>, %reduce_sum3A_10, %reduce_sum3A_11 [1, 2] : vector<1x1x64xf32> to vector<1xf32>
    %reduce_sum3A_13 = vector.shape_cast %reduce_sum3A_12 : vector<1xf32> to vector<1x1x1xf32>
    %reduce_sum3A_14 = vector.extract %reduce_sum3A_13[0, 0, 0] : f32 from vector<1x1x1xf32>
    %sub3A = arith.constant 1.000000e+00 : f32
    %sub3A_15 = arith.subf %sub3A, %reduce_sum3A_8 : f32
    %jit3A = arith.constant 9.99999974E-6 : f32
    %jit3A_16 = arith.constant 1.000000e+00 : f32
    %max3A = arith.maximumf %jit3A, %sub3A_15 : f32
    %min3A = arith.minimumf %jit3A_16, %max3A : f32
    %sub3A_17 = arith.constant 1.000000e+00 : f32
    %sub3A_18 = arith.subf %sub3A_17, %reduce_sum3A_14 : f32
    %jit3A_19 = arith.constant 9.99999974E-6 : f32
    %jit3A_20 = arith.constant 1.000000e+00 : f32
    %max3A_21 = arith.maximumf %jit3A_19, %sub3A_18 : f32
    %min3A_22 = arith.minimumf %jit3A_20, %max3A_21 : f32
    %sub3A_23 = arith.subf %get3A_1, %get3A_4 : vector<1x64xf32>
    %integer_pow3A = arith.mulf %sub3A_23, %sub3A_23 : vector<1x64xf32>
    %reduce_sum3A_24 = vector.shape_cast %integer_pow3A : vector<1x64xf32> to vector<1x1x64xf32>
    %reduce_sum3A_25 = arith.constant dense<0.000000e+00> : vector<1xf32>
    %reduce_sum3A_26 = vector.multi_reduction <add>, %reduce_sum3A_24, %reduce_sum3A_25 [1, 2] : vector<1x1x64xf32> to vector<1xf32>
    %reduce_sum3A_27 = vector.shape_cast %reduce_sum3A_26 : vector<1xf32> to vector<1x1x1xf32>
    %reduce_sum3A_28 = vector.extract %reduce_sum3A_27[0, 0, 0] : f32 from vector<1x1x1xf32>
    %mul3A_29 = arith.constant 2.000000e+00 : f32
    %mul3A_30 = arith.mulf %mul3A_29, %reduce_sum3A_28 : f32
    %mul3A_31 = arith.mulf %min3A, %min3A_22 : f32
    %div3A = arith.divf %mul3A_30, %mul3A_31 : f32
    %add3A = arith.constant 1.000000e+00 : f32
    %add3A_32 = arith.addf %add3A, %div3A : f32
    %jit3A_33 = arith.constant 1.00000012 : f32
    %max3A_34 = arith.maximumf %jit3A_33, %add3A_32 : f32
    %mul3A_35 = arith.mulf %max3A_34, %max3A_34 : f32
    %sub3A_36 = arith.constant 1.000000e+00 : f32
    %sub3A_37 = arith.subf %mul3A_35, %sub3A_36 : f32
    %sqrt3A = math.sqrt %sub3A_37 : f32
    %add3A_38 = arith.addf %max3A_34, %sqrt3A : f32
    %log3A = math.log %add3A_38 : f32
    %get3A_39 = arith.constant 0 : index
    %get3A_40 = arith.constant 0 : index
    %get3A_41 = vector.load %arg0[%get3A_39, %get3A_40] : memref<16384x64xf32, #tpu.memory_space<vmem>>, vector<16384x64xf32>
    %mul3A_42 = arith.mulf %get3A_41, %get3A_41 : vector<16384x64xf32>
    %reduce_sum3A_43 = arith.constant dense<0.000000e+00> : vector<16384xf32>
    %reduce_sum3A_44 = vector.multi_reduction <add>, %mul3A_42, %reduce_sum3A_43 [1] : vector<16384x64xf32> to vector<16384xf32>
    %broadcast_in_dim3A = vector.shape_cast %reduce_sum3A_44 : vector<16384xf32> to vector<16384x1xf32>
    %sub3A_45 = arith.constant 1.000000e+00 : f32
    %sub3A_46 = vector.broadcast %sub3A_45 : f32 to vector<16384x1xf32>
    %sub3A_47 = arith.subf %sub3A_46, %broadcast_in_dim3A : vector<16384x1xf32>
    %jit3A_48 = arith.constant 9.99999974E-6 : f32
    %jit3A_49 = arith.constant 1.000000e+00 : f32
    %max3A_50 = vector.broadcast %jit3A_48 : f32 to vector<16384x1xf32>
    %max3A_51 = arith.maximumf %max3A_50, %sub3A_47 : vector<16384x1xf32>
    %min3A_52 = vector.broadcast %jit3A_49 : f32 to vector<16384x1xf32>
    %min3A_53 = arith.minimumf %min3A_52, %max3A_51 : vector<16384x1xf32>
    %sub3A_54 = vector.broadcast %get3A_1 : vector<1x64xf32> to vector<16384x64xf32>
    %sub3A_55 = arith.subf %get3A_41, %sub3A_54 : vector<16384x64xf32>
    %integer_pow3A_56 = arith.mulf %sub3A_55, %sub3A_55 : vector<16384x64xf32>
    %reduce_sum3A_57 = arith.constant dense<0.000000e+00> : vector<16384xf32>
    %reduce_sum3A_58 = vector.multi_reduction <add>, %integer_pow3A_56, %reduce_sum3A_57 [1] : vector<16384x64xf32> to vector<16384xf32>
    %broadcast_in_dim3A_59 = vector.shape_cast %reduce_sum3A_58 : vector<16384xf32> to vector<16384x1xf32>
    %mul3A_60 = arith.constant 2.000000e+00 : f32
    %mul3A_61 = vector.broadcast %mul3A_60 : f32 to vector<16384x1xf32>
    %mul3A_62 = arith.mulf %mul3A_61, %broadcast_in_dim3A_59 : vector<16384x1xf32>
    %mul3A_63 = vector.broadcast %min3A : f32 to vector<16384x1xf32>
    %mul3A_64 = arith.mulf %mul3A_63, %min3A_53 : vector<16384x1xf32>
    %div3A_65 = arith.divf %mul3A_62, %mul3A_64 : vector<16384x1xf32>
    %add3A_66 = arith.constant 1.000000e+00 : f32
    %add3A_67 = vector.broadcast %add3A_66 : f32 to vector<16384x1xf32>
    %add3A_68 = arith.addf %add3A_67, %div3A_65 : vector<16384x1xf32>
    %jit3A_69 = arith.constant 1.00000012 : f32
    %max3A_70 = vector.broadcast %jit3A_69 : f32 to vector<16384x1xf32>
    %max3A_71 = arith.maximumf %max3A_70, %add3A_68 : vector<16384x1xf32>
    %mul3A_72 = arith.mulf %max3A_71, %max3A_71 : vector<16384x1xf32>
    %sub3A_73 = arith.constant 1.000000e+00 : f32
    %sub3A_74 = vector.broadcast %sub3A_73 : f32 to vector<16384x1xf32>
    %sub3A_75 = arith.subf %mul3A_72, %sub3A_74 : vector<16384x1xf32>
    %sqrt3A_76 = math.sqrt %sub3A_75 : vector<16384x1xf32>
    %sub3A_77 = arith.subf %max3A_71, %sqrt3A_76 : vector<16384x1xf32>
    %reduce_sum3A_78 = vector.shape_cast %sub3A_77 : vector<16384x1xf32> to vector<1x16384x1xf32>
    %reduce_sum3A_79 = arith.constant dense<0.000000e+00> : vector<1xf32>
    %reduce_sum3A_80 = vector.multi_reduction <add>, %reduce_sum3A_78, %reduce_sum3A_79 [1, 2] : vector<1x16384x1xf32> to vector<1xf32>
    %reduce_sum3A_81 = vector.shape_cast %reduce_sum3A_80 : vector<1xf32> to vector<1x1x1xf32>
    %reduce_sum3A_82 = vector.extract %reduce_sum3A_81[0, 0, 0] : f32 from vector<1x1x1xf32>
    %log3A_83 = math.log %reduce_sum3A_82 : f32
    %add3A_84 = arith.addf %log3A, %log3A_83 : f32
    %broadcast_in_dim3A_85 = vector.broadcast %add3A_84 : f32 to vector<1x1xf32>
    %swap3A = arith.constant 0 : index
    %swap3A_86 = arith.constant 0 : index
    %swap3A_87 = vector.load %arg2[%swap3A, %swap3A_86] : memref<1x1xf32, #tpu.memory_space<vmem>>, vector<1x1xf32>
    tpu.vector_store %arg2[%swap3A, %swap3A_86], %broadcast_in_dim3A_85 {strides = array<i32>} : memref<1x1xf32, #tpu.memory_space<vmem>>, vector<1x1xf32>,
    return
  }
}

</mosaic_0001>

<sc_bundles>
// kernel: kernel.4.cloned.1.call-start
scs
__scs_entry_jumppad:
0x0: {  	(pc) =	sbr.rel $0x88, $3  }
0x1: {  	(tag) =	ssettag $0x0;
	lr =	simm.s32 $0x1  }
0x2: {  	[smem:$0x3F9D] =	sst lr;
	_ =	strace $0xD0000000  }
0x3: {  	_ = 	snop  }
0x4: {  	_ = 	snop  }
0x5: {  	_ = 	snop  }
0x6: {  	_ = 	snop  }
0x7: {  	_ = 	snop  }
__scs_overlays_trampoline_lowered:
0x8: {  	[smem:$0x3FAC] =	sst s0  }
0x9: {  	[smem:$0x3FAD] =	sst s1  }
0xa: {  	[smem:$0x3FAE] =	sst s2  }
0xb: {  	[smem:$0x3FAF] =	sst s3  }
0xc: {  	[smem:$0x3FB0] =	sst s4  }
0xd: {  	[smem:$0x3FB1] =	sst s5  }
0xe: {  	[smem:$0x3FB2] =	sst s6  }
0xf: {  	[smem:$0x3FB3] =	sst s7  }
0x10: {  	[smem:$0x3FB4] =	sst s8  }
0x11: {  	[smem:$0x3FB5] =	sst s9;
	s0 =	simm.s32 @!p0 $0x0  }
0x12: {  	s1 =	sld [smem:$0x3F9B];
	s0 =	simm.s32 @p0 $0x1  }
0x13: {  	[smem:$0x3FB6] =	sst s0;
	s0 =	simm.s32 @!p1 $0x0  }
0x14: {  	s2 =	sld [smem:$0x3F9A];
	s0 =	simm.s32 @p1 $0x1  }
0x15: {  	[smem:$0x3FB7] =	sst s0;
	s0 =	simm.s32 @!p2 $0x0  }
0x16: {  	s3 =	sld [smem:$0x3FDB];
	s0 =	simm.s32 @p2 $0x1  }
0x17: {  	s4 =	simm.s32 $0x1BF5;
	[smem:$0x3FB9] =	sst s0  }
0x18: {  	s0 =	sld [smem:$0x3F9C];
	_ =	swait.ge [sflag:s4], $0x0  }
0x19: {  	s7 =	sld [smem:$0x3F9D]  }
0x1a: {  	s8 =	sadd.s32 $0xFFFFE003, lr  }
0x1b: {  	s9 =	sadd.s32 $0xFFFFFEF7, lr;
	s5 =	simm.s32 $0xFFFFFFFF;
	p2 =	slt.u32 s8, $0xFFFFF086  }
0x1c: {  	p1 =	slt.u32 s9, $0xF7A;
	s5 =	simm.s32 @!p2 $0x0  }
0x1d: {  	s5 =	simm.s32 @p1 $0x1;
	p0 =	seq.s32 s7, s2  }
0x1e: {  	s7 =	smul.u32 @!p0 $0xF7A, s2;
	p2 =	seq.s32 @!p0 s5, $0x0  }
0x1f: {  	s9 =	smul.u32 $0xF7A, s1;
	s8 =	simm.s32 @!p0 $0x1BF5;
	p2 =	por !p2, p0  }
0x20: {  	[sflag:s8] =	ssyncset.s32 @!p0 $0xFFFFF086;
	s6 =	sadd.s32 @!p0 s3, s7;
	s7 =	simm.s32 @!p0 $0x108  }
0x21: {  	s3 =	sadd.s32 s3, s9;
	s6 =	sadd.s32 @!p0 $0x88, s6;
	s7 =	simm.s32 @p2 $0x1082  }
0x22: {  	[simem:s7], [sflag:s8] =	dma.local @!p0 [hbm:s6], $0xF7A  }
0x23: {  	s9 =	sor.u32 $0xD0000000, s2;
	s6 =	simm.s32 $0x108;
	_ =	swait.ge @!p0 [sflag:s8], $0x0  }
0x24: {  	s3 =	sadd.s32 $0x88, s3;
	s6 =	simm.s32 @!p1 $0x1082;
	[sflag:s4] =	ssyncset.s32 $0xFFFFF086  }
0x25: {  	[simem:s6], [sflag:s4] =	dma.local [hbm:s3], $0xF7A  }
0x26: {  	[smem:$0x3F9D] =	sst s1;
	(tag) =	ssettag s2;
	_ =	strace s9  }
0x27: {  	s1 =	sld [smem:$0x3FAD]  }
0x28: {  	s2 =	sld [smem:$0x3FAE]  }
0x29: {  	s4 =	sld [smem:$0x3FB0]  }
0x2a: {  	p0 =	seq.s32 s5, $0x0;
	s5 =	sld [smem:$0x3FB1]  }
0x2b: {  	s6 =	sld [smem:$0x3FB2]  }
0x2c: {  	s7 =	sld [smem:$0x3FB3]  }
0x2d: {  	s3 =	simm.s32 $0x108;
	s8 =	sld [smem:$0x3FB4]  }
0x2e: {  	s3 =	simm.s32 @!p0 $0x1082;
	s9 =	sld [smem:$0x3FB5]  }
0x2f: {  	lr =	sadd.s32 s0, s3;
	s0 =	sld [smem:$0x3FAC]  }
0x30: {  	s3 =	sld [smem:$0x3FAF]  }
0x31: {  	[smem:$0x3FB8] =	sst s10  }
0x32: {  	s10 =	sld [smem:$0x3FB6];
	_ =	sdelay $0x3  }
0x33: {  	p0 =	seq.s32 s10, $0x1;
	s10 =	sld [smem:$0x3FB8];
	_ =	sdelay $0x3  }
0x34: {  	[smem:$0x3FB8] =	sst s10  }
0x35: {  	s10 =	sld [smem:$0x3FB7];
	_ =	sdelay $0x3  }
0x36: {  	p1 =	seq.s32 s10, $0x1;
	s10 =	sld [smem:$0x3FB8];
	_ =	sdelay $0x3  }
0x37: {  	[smem:$0x3FB8] =	sst s10  }
0x38: {  	s10 =	sld [smem:$0x3FB9]  }
0x39: {  	_ = 	snop;
	(pc) =	sbr.ind lr, $3  }
0x3a: {  	_ = 	snop  }
0x3b: {  	_ = 	snop  }
0x3c: {  	p2 =	seq.s32 s10, $0x1;
	s10 =	sld [smem:$0x3FB8]  }
0x3d: {  	_ =	shalt  }
0x3e: {  	_ =	shalt  }
0x3f: {  	_ =	shalt  }
0x40: {  	_ =	shalt  }
0x41: {  	_ =	shalt  }
0x42: {  	_ =	shalt  }
0x43: {  	_ =	shalt  }
0x44: {  	_ =	shalt  }
0x45: {  	_ =	shalt  }
0x46: {  	_ =	shalt  }
0x47: {  	_ =	shalt  }
0x48: {  	_ =	shalt  }
0x49: {  	_ =	shalt  }
0x4a: {  	_ =	shalt  }
0x4b: {  	_ =	shalt  }
0x4c: {  	_ =	shalt  }
0x4d: {  	_ =	shalt  }
0x4e: {  	_ =	shalt  }
0x4f: {  	_ =	shalt  }
0x50: {  	_ =	shalt  }
0x51: {  	_ =	shalt  }
0x52: {  	_ =	shalt  }
0x53: {  	_ =	shalt  }
0x54: {  	_ =	shalt  }
0x55: {  	_ =	shalt  }
0x56: {  	_ =	shalt  }
0x57: {  	_ =	shalt  }
0x58: {  	_ =	shalt  }
0x59: {  	_ =	shalt  }
0x5a: {  	_ =	shalt  }
0x5b: {  	_ =	shalt  }
0x5c: {  	_ =	shalt  }
0x5d: {  	_ =	shalt  }
0x5e: {  	_ =	shalt  }
0x5f: {  	_ =	shalt  }
0x60: {  	_ =	shalt  }
0x61: {  	_ =	shalt  }
0x62: {  	_ =	shalt  }
0x63: {  	_ =	shalt  }
0x64: {  	_ =	shalt  }
0x65: {  	_ =	shalt  }
0x66: {  	_ =	shalt  }
0x67: {  	_ =	shalt  }
0x68: {  	_ =	shalt  }
0x69: {  	_ =	shalt  }
0x6a: {  	_ =	shalt  }
0x6b: {  	_ =	shalt  }
0x6c: {  	_ =	shalt  }
0x6d: {  	_ =	shalt  }
0x6e: {  	_ =	shalt  }
0x6f: {  	_ =	shalt  }
0x70: {  	_ =	shalt  }
0x71: {  	_ =	shalt  }
0x72: {  	_ =	shalt  }
0x73: {  	_ =	shalt  }
0x74: {  	_ =	shalt  }
0x75: {  	_ =	shalt  }
0x76: {  	_ =	shalt  }
0x77: {  	_ =	shalt  }
0x78: {  	_ =	shalt  }
0x79: {  	_ =	shalt  }
0x7a: {  	_ =	shalt  }
0x7b: {  	_ =	shalt  }
0x7c: {  	_ =	shalt  }
0x7d: {  	_ =	shalt  }
0x7e: {  	_ =	shalt  }
0x7f: {  	_ =	shalt  }
0x80: {  	_ =	shalt  }
0x81: {  	_ =	shalt  }
0x82: {  	_ =	shalt  }
0x83: {  	_ =	shalt  }
0x84: {  	_ =	shalt  }
0x85: {  	_ =	shalt  }
0x86: {  	_ =	shalt  }
0x87: {  	_ =	shalt  }
.Lfunc_end0:
.L_simem_size_0:
called_computation_lowered:
.L_overlay_start_0:
0x88: {  	s2 =	sld [smem:$0x3FD9]  }
0x89: {  	s3 =	sld [smem:$0x3FFE];
	_ =	sdelay $0x1  }
0x8a: {  	s1 =	srdreg.scid  }
0x8b: {  	s0 =	sand.u32 $0x1, s1  }
0x8c: {  	s14 =	sshll.u32 s0, $0xA;
	s2 =	sadd.s32 s3, s2  }
0x8d: {  	s2 =	sadd.s32 s2, s14  }
0x8e: {  	[smem:$0x3FC4] =	sst s2  }
0x8f: {  	_ = 	snop  }
0x90: {  	s2 =	sld [smem:$0x3FD0];
	_ =	sdelay $0x2  }
0x91: {  	s4 =	simm.s32 $0xA;
	s5 =	simm.s32 $0x10;
	s15 =	sld [smem:$0x3FC6]  }
0x92: {  	[smem:s5], [sflag:s4] =	dma.local [hbm:s2], $0x1  }
0x93: {  	_ =	swait.eq [sflag:s4], $0x1  }
0x94: {  	[sflag:s4] =	ssyncset.done $0x0  }
0x95: {  	s16 =	sld [smem:$0x10];
	[sflag:s4] =	ssyncadd.s32 $0xFFFFFFFF  }
0x96: {  	s17 =	sld [smem:$0x13];
	(tm) =	ssettm $0x1  }
0x97: {  	s18 =	sld [smem:$0x3FFB];
	_ =	sdelay $0x3  }
0x98: {  	_ =	strace s18  }
0x99: {  	s5 =	sld [smem:$0x3FFC];
	_ =	sdelay $0x3  }
0x9a: {  	_ =	strace s5  }
0x9b: {  	s5 =	sld [smem:$0x3FFD];
	_ =	sdelay $0x3  }
0x9c: {  	_ =	strace s5  }
0x9d: {  	_ =	strace $0x8FFFFFFF  }
0x9e: {  	s19 =	sld [smem:$0x3FDB];
	_ =	sdelay $0x1  }
0x9f: {  	s6 =	simm.s32 $_scs_section_size  }
0xa0: {  	s7 =	simm.s32 $_size__tile_overlayer_lowered;
	s8 =	simm.s32 $_tile_overlayer_lowered  }
0xa1: {  	s22 =	simm.s32 $0x1BFF;
	s21 =	sshll.u32 s8, $0x1;
	s5 =	sadd.s32 s6, s19  }
0xa2: {  	s9 =	simm.s32 $0x0;
	s20 =	sshll.u32 s7, $0x1;
	s7 =	sadd.s32 s21, s5  }
0xa3: {  	[timem:s9], [sflag:s22] =	dma.local [hbm:s7], s20  }
0xa4: {  	_ =	swait.ge [sflag:s22], s20  }
0xa5: {  	s6 =	ssub.s32 $0x0, s20;
	[sflag:s22] =	ssyncset.done $0x0  }
0xa6: {  	[sflag:s22] =	ssyncadd.s32 s6;
	_ =	sdelay $0x1  }
0xa7: {  	s23 =	simm.s32 $0x1B8B  }
0xa8: {  	_ =	swait.ge [sflag:s23], $0x1  }
0xa9: {  	[sflag:s23] =	ssyncset.done $0x0  }
0xaa: {  	s25 =	simm.s32 $0x1B8E;
	s24 =	sld [smem:$0x3FFE];
	[sflag:s23] =	ssyncadd.s32 $0xFFFFFFFF  }
0xab: {  	s26 =	simm.s32 $execute0_lowered;
	[smem:$0x3FD2] =	sst s25  }
0xac: {  	s7 =	sshll.u32 s26, $0x1;
	_ =	strace $0x80000046;
	[dreg:$0x1] =	wrdreg $0xFFFFFFFF  }
0xad: {  	s28 =	simm.s32 $_size_execute0_lowered;
	s5 =	sadd.s32 s5, s7;
	[dreg:$0x0] =	wrdreg $0x0  }
0xae: {  	s7 =	sshll.u32 s28, $0x1;
	[dreg:$0x2] =	wrdreg s5  }
0xaf: {  	[dreg:$0x3] =	wrdreg s7  }
0xb0: {  	[dreg:$0x4] =	wrdreg $0xC0  }
0xb1: {  	_ =	task [dreg:s9], $0x5FFFF  }
0xb2: {  	[dreg:$0x1] =	wrdreg $0xFFFFFFFF  }
0xb3: {  	[dreg:$0x0] =	wrdreg $0x60  }
0xb4: {  	[dreg:$0x2] =	wrdreg s24  }
0xb5: {  	[dreg:$0x3] =	wrdreg s15  }
0xb6: {  	[dreg:$0x4] =	wrdreg s16  }
0xb7: {  	[dreg:$0x5] =	wrdreg s17  }
0xb8: {  	[dreg:$0x6] =	wrdreg $0x9  }
0xb9: {  	_ =	task.clear_ibuf [dreg:s9], $0x7FFFF;
	_ =	strace $0x90000046  }
0xba: {  	s29 =	simm.s32 $0x9;
	_ =	strace $0x80000048  }
0xbb: {  	_ =	swait.ge [sflag:s29], $0x1  }
0xbc: {  	[sflag:s29] =	ssyncadd.s32 $0xFFFFFFFF  }
0xbd: {  	_ =	strace $0x90000048  }
0xbe: {  	_ =	sfence  }
0xbf: {  	s30 =	sld [smem:$0x0];
	_ =	sdelay $0x2  }
0xc0: {  	s31 =	sshll.u32 s1, $0xD;
	s1 =	sshrl.u32 s1, $0x2  }
0xc1: {  	s3 =	sand.u32 $0x4000, s31;
	s1 =	sadd.s32 s1, s30  }
0xc2: {  	s0 =	sor.u32 s3, s0;
	s1 =	sshll.u32 s1, $0x11  }
0xc3: {  	s0 =	sor.u32 s1, s0  }
0xc4: {  	s0 =	sadd.s32 $0x8F2B, s0  }
0xc5: {  	[sflag:s0] =	ssyncadd.remote.s32 $0x1  }
0xc6: {  	_ =	sfence.sel $0xFFFF  }
0xc7: {  	[dreg:$0x0] =	wrdreg $0xFFFFFFFF;
	(pc) =	sbr.abs _section_cstart, $3  }
0xc8: {  	[dreg:$0x1] =	wrdreg $0xFFFFFFFF  }
0xc9: {  	_ =	task.clear_ibuf [dreg:s9], $0x2FFFF;
	_ =	strace $0x9FFFFFFF  }
0xca: {  	(tm) =	ssettm $0x7FFFFFFF  }
0xcb: {  	_ =	shalt  }
tec
execute0_lowered:
.L_overlay_start_1:
0x0: {  	(tag) =	ssettag $0x1  }
0x1: {  	s22 =	rddreg [dreg:$0x0]  }
0x2: {  	s4 =	rddreg [dreg:$0x1]  }
0x3: {  	s2 =	rddreg [dreg:$0x2]  }
0x4: {  	s1 =	srdreg.scid;
	s0 =	stileid.u32  }
0x5: {  	s15 =	rddreg [dreg:$0x3];
	s19 =	sand.u32 $0x1, s1;
	s5 =	sshll.u32 s0, $0x1  }
0x6: {  	s3 =	simm.s32 $0x0;
	s1 =	rddreg [dreg:$0x4];
	s16 =	sor.u32 s19, s5  }
0x7: {  	[smem:$0x7FF] =	sst s3;
	s5 =	sshll.u32 s16, $0x6  }
0x8: {  	_ =	strace $0x80000047;
	s4 =	sadd.s32 s4, s5;
	s5 =	simm.s32 $0x2  }
0x9: {  	[tilespmem:s3], [sflag:$0x2] =	stream.linear.gather [hbm4b:s4+s3], $0x200, $0x38;
	[tilespmem:$0x8408] =	vst v63  }
0xa: {  	_ =	swait.ge [sflag:s5], $0x200  }
0xb: {  	s7 =	simm.s32 $0x80;
	[sflag:s5] =	ssyncset.done $0x0  }
0xc: {  	s8 =	simm.s32 $0x200;
	s6 =	sadd.s32 $0xF42E00, s22;
	[sflag:s5] =	ssyncadd.s32 $0xFFFFFE00  }
0xd: {  	[tilespmem:s8], [sflag:$0x1] =	stream.indirect.gather [hbm4b:s6+s7], $0x40, s3, s7, $0xb8;
	[tilespmem:$0x8408] =	vst v63  }
0xe: {  	s9 =	simm.s32 $0x2200  }
0xf: {  	[tilespmem:s9], [sflag:$0x1] =	stream.indirect.gather [hbm4b:s6+s7], $0x40, s7, s7, $0xb8;
	[tilespmem:$0x8408] =	vst v63  }
0x10: {  	s10 =	simm.s32 $0x100;
	s11 =	simm.s32 $0x4200  }
0x11: {  	[tilespmem:s11], [sflag:$0x1] =	stream.indirect.gather [hbm4b:s6+s7], $0x40, s10, s7, $0xb8;
	[tilespmem:$0x8408] =	vst v63  }
0x12: {  	s12 =	simm.s32 $0x180;
	s13 =	simm.s32 $0x6200;
	s14 =	simm.s32 $0x1  }
0x13: {  	[tilespmem:s13], [sflag:$0x1] =	stream.indirect.gather [hbm4b:s6+s7], $0x40, s12, s7, $0xb8;
	[tilespmem:$0x8408] =	vst v63  }
0x14: {  	_ =	swait.ge [sflag:s14], $0x2000  }
0x15: {  	[sflag:s14] =	ssyncset.done $0x0  }
0x16: {  	[sflag:s14] =	ssyncadd.s32 $0xFFFFE000  }
0x17: {  	_ =	swait.ge [sflag:s14], $0x2000  }
0x18: {  	[sflag:s14] =	ssyncset.done $0x0  }
0x19: {  	[sflag:s14] =	ssyncadd.s32 $0xFFFFE000  }
0x1a: {  	_ =	swait.ge [sflag:s14], $0x2000  }
0x1b: {  	[sflag:s14] =	ssyncset.done $0x0  }
0x1c: {  	[sflag:s14] =	ssyncadd.s32 $0xFFFFE000  }
0x1d: {  	_ =	swait.ge [sflag:s14], $0x2000  }
0x1e: {  	s17 =	sshll.u32 s16, $0xC;
	[sflag:s14] =	ssyncset.done $0x0  }
0x1f: {  	s15 =	sadd.s32 s15, s17;
	[sflag:s14] =	ssyncadd.s32 $0xFFFFE000  }
0x20: {  	[hbm4b:s15+s3] =	stream.linear.scatter [tilespmem:s8], [sflag:$0x2], $0x8000, $0x38;
	[tilespmem:$0x8408] =	vst v63  }
0x21: {  	s23 =	ssub.s32 $0x2, s19;
	p0 =	sne.s32 s16, $0x0;
	_ =	swait.ge [sflag:s5], $0x8000  }
0x22: {  	s24 =	sshrl.u32 s23, $0x1;
	s16 =	simm.s32 @!p0 $0x2;
	[sflag:s5] =	ssyncset.done $0x0  }
0x23: {  	s17 =	simm.s32 @!p0 $0x0;
	s18 =	simm.s32 @!p0 $0x8200;
	[sflag:s5] =	ssyncadd.s32 $0xFFFF8000  }
0x24: {  	[tilespmem:s18], [sflag:$0x2] =	stream.linear.gather @!p0 [hbm4b:s2+s17], $0x8, $0x38;
	[tilespmem:$0x8408] =	vst v63  }
0x25: {  	s19 =	simm.s32 @!p0 $0x1;
	s23 =	ssub.s32 s23, s24;
	_ =	swait.ge @!p0 [sflag:s16], $0x8  }
0x26: {  	s20 =	simm.s32 @!p0 $0x8;
	s23 =	smax.u32 s23, $0x1;
	[sflag:s16] =	ssyncset.done @!p0 $0x0  }
0x27: {  	s21 =	simm.s32 @!p0 $0x8208;
	s23 =	sadd.s32 $0xFFFFFFFF, s23;
	[sflag:s16] =	ssyncadd.s32 @!p0 $0xFFFFFFF8  }
0x28: {  	[tilespmem:s21], [sflag:$0x1] =	stream.indirect.gather @!p0 [hbm4b:s6+s20], $0x40, s18, s20, $0xb8;
	[tilespmem:$0x8408] =	vst v63  }
0x29: {  	p1 =	sne.s32 s23, $0x0;
	_ =	swait.ge @!p0 [sflag:s19], $0x200  }
.Ltmp0:
0x2a: {  	[sflag:s19] =	ssyncset.done @!p0 $0x0;
	(pc) =	sbr.rel @!p1 .LBB2_2-.Ltmp0, $4  }
0x2b: {  	s22 =	sadd.s32 $0xA00, s22;
	[sflag:s19] =	ssyncadd.s32 @!p0 $0xFFFFFE00  }
0x2c: {  	[hbm4b:s22+s17] =	stream.linear.scatter @!p0 [tilespmem:s21], [sflag:$0x2], $0x200, $0x38;
	[tilespmem:$0x8408] =	vst v63  }
0x2d: {  	_ =	swait.ge @!p0 [sflag:s16], $0x200  }
0x2e: {  	[sflag:s16] =	ssyncset.done @!p0 $0x0  }
.LBB2_1:
0x2f: {  	s23 =	sadd.s32 $0xFFFFFFFF, s23;
	[sflag:s16] =	ssyncadd.s32 @!p0 $0xFFFFFE00  }
0x30: {  	[tilespmem:s3], [sflag:$0x2] =	stream.linear.gather [hbm4b:s4+s3], $0x200, $0x38;
	[tilespmem:$0x8408] =	vst v63  }
0x31: {  	p1 =	sne.s32 s23, $0x0;
	_ =	swait.ge [sflag:s5], $0x200  }
0x32: {  	[sflag:s5] =	ssyncset.done $0x0  }
0x33: {  	[sflag:s5] =	ssyncadd.s32 $0xFFFFFE00  }
0x34: {  	[tilespmem:s8], [sflag:$0x1] =	stream.indirect.gather [hbm4b:s6+s7], $0x40, s3, s7, $0xb8;
	[tilespmem:$0x8408] =	vst v63  }
0x35: {  	_ = 	snop  }
0x36: {  	[tilespmem:s9], [sflag:$0x1] =	stream.indirect.gather [hbm4b:s6+s7], $0x40, s7, s7, $0xb8;
	[tilespmem:$0x8408] =	vst v63  }
0x37: {  	_ = 	snop  }
0x38: {  	[tilespmem:s11], [sflag:$0x1] =	stream.indirect.gather [hbm4b:s6+s7], $0x40, s10, s7, $0xb8;
	[tilespmem:$0x8408] =	vst v63  }
0x39: {  	_ = 	snop  }
0x3a: {  	[tilespmem:s13], [sflag:$0x1] =	stream.indirect.gather [hbm4b:s6+s7], $0x40, s12, s7, $0xb8;
	[tilespmem:$0x8408] =	vst v63  }
0x3b: {  	_ =	swait.ge [sflag:s14], $0x2000  }
0x3c: {  	[sflag:s14] =	ssyncset.done $0x0  }
0x3d: {  	[sflag:s14] =	ssyncadd.s32 $0xFFFFE000  }
0x3e: {  	_ =	swait.ge [sflag:s14], $0x2000  }
0x3f: {  	[sflag:s14] =	ssyncset.done $0x0  }
0x40: {  	[sflag:s14] =	ssyncadd.s32 $0xFFFFE000  }
0x41: {  	_ =	swait.ge [sflag:s14], $0x2000  }
0x42: {  	[sflag:s14] =	ssyncset.done $0x0  }
0x43: {  	[sflag:s14] =	ssyncadd.s32 $0xFFFFE000  }
0x44: {  	_ =	swait.ge [sflag:s14], $0x2000  }
0x45: {  	[sflag:s14] =	ssyncset.done $0x0  }
0x46: {  	[sflag:s14] =	ssyncadd.s32 $0xFFFFE000  }
0x47: {  	[hbm4b:s15+s3] =	stream.linear.scatter [tilespmem:s8], [sflag:$0x2], $0x8000, $0x38;
	[tilespmem:$0x8408] =	vst v63  }
0x48: {  	_ =	swait.ge [sflag:s5], $0x8000  }
0x49: {  	[sflag:s5] =	ssyncset.done $0x0  }
0x4a: {  	[sflag:s5] =	ssyncadd.s32 $0xFFFF8000  }
0x4b: {  	[tilespmem:s18], [sflag:$0x2] =	stream.linear.gather @!p0 [hbm4b:s2+s17], $0x8, $0x38;
	[tilespmem:$0x8408] =	vst v63  }
0x4c: {  	_ =	swait.ge @!p0 [sflag:s16], $0x8  }
0x4d: {  	[sflag:s16] =	ssyncset.done @!p0 $0x0  }
0x4e: {  	[sflag:s16] =	ssyncadd.s32 @!p0 $0xFFFFFFF8  }
0x4f: {  	[tilespmem:s21], [sflag:$0x1] =	stream.indirect.gather @!p0 [hbm4b:s6+s20], $0x40, s18, s20, $0xb8;
	[tilespmem:$0x8408] =	vst v63  }
0x50: {  	_ =	swait.ge @!p0 [sflag:s19], $0x200  }
.Ltmp1:
0x51: {  	[sflag:s19] =	ssyncset.done @!p0 $0x0;
	(pc) =	sbr.rel @p1 .LBB2_1-.Ltmp1, $4  }
0x52: {  	[sflag:s19] =	ssyncadd.s32 @!p0 $0xFFFFFE00  }
0x53: {  	[hbm4b:s22+s17] =	stream.linear.scatter @!p0 [tilespmem:s21], [sflag:$0x2], $0x200, $0x38;
	[tilespmem:$0x8408] =	vst v63  }
0x54: {  	_ =	swait.ge @!p0 [sflag:s16], $0x200  }
0x55: {  	[sflag:s16] =	ssyncset.done @!p0 $0x0  }
.LBB2_2:
0x56: {  	[sflag:s16] =	ssyncadd.s32 @!p0 $0xFFFFFE00  }
0x57: {  	_ =	sfence.sel $0x180000  }
0x58: {  	[bflag:$0x0] =	sbarrier.arrive $0xFFFF  }
0x59: {  	p0 =	sne.s32 s0, $0x0;
	_ =	strace $0x90000047  }
0x5a: {  	s0 =	sadd.s32 @!p0 $0x100000, s1;
	[bflag:$0x2] =	sbarrier.arrive $0xFFFF  }
0x5b: {  	[sflag:s0] =	ssyncadd.tile.s32 @!p0 $0x1;
	_ =	shalt  }
.Lfunc_end2:
_tile_overlayer_lowered:
.L_overlay_start_2:
0x5c: {  	(tag) =	ssettag $0x2  }
0x5d: {  	s0 =	rddreg [dreg:$0x0];
	s2 =	stileid.u32  }
0x5e: {  	s1 =	rddreg [dreg:$0x1];
	p0 =	sne.s32 s2, $0x0  }
0x5f: {  	s3 =	rddreg [dreg:$0x2];
	[bflag:$0x3] =	sbarrier.arrive $0xFFFF;
	s2 =	simm.s32 @!p0 $0x1C02  }
0x60: {  	[timem:s3], [sflag:s2] =	dma.local @!p0 [hbm:s0], s1  }
0x61: {  	s0 =	simm.s32 @!p0 $0x2  }
0x62: {  	_ =	swait.ge @!p0 [sflag:s0], s1  }
0x63: {  	s1 =	ssub.s32 @!p0 $0x0, s1;
	[sflag:s0] =	ssyncset.done @!p0 $0x0  }
0x64: {  	[sflag:s0] =	ssyncadd.s32 @!p0 s1  }
0x65: {  	[bflag:$0x3] =	sbarrier.arrive $0xFFFF  }
0x66: {  	_ =	shalt  }

</sc_bundles>
